<compile_context>
chip_gen: v7x
topology: tpu7x:2x2x1
jax: 0.10.2.dev20260603
libtpu: 0.0.44.dev20260713+nightly
codegen_flags: <defaults>
</compile_context>

<pallas_src>
import functools

import jax
import jax.numpy as jnp
from jax import lax
from jax.experimental import pallas as pl
from jax.experimental.pallas import tpu as pltpu
from jax.experimental.pallas import tpu_sc as plsc

NUM_SAMPLES = 32
C_FRAMES = 3
T = 300
H = 224
W = 224
NC, NS = 2, 16
NW = NC * NS
NFRAMES = C_FRAMES * NUM_SAMPLES
K = NFRAMES // NW
NBUF = 2


def _sc_subsample(x):
    mesh = plsc.VectorSubcoreMesh(core_axis_name="c", subcore_axis_name="s")

    @functools.partial(
        pl.kernel,
        mesh=mesh,
        out_type=jax.ShapeDtypeStruct((C_FRAMES, NUM_SAMPLES, H, W), jnp.float32),
        scratch_types=[pltpu.VMEM((NBUF, 1, 1, H, W), jnp.float32),
                       pltpu.SemaphoreType.DMA,
                       pltpu.SemaphoreType.DMA],
    )
    def k(x_hbm, out_hbm, bufs, rsem, wsem):
        wid = lax.axis_index("s") * NC + lax.axis_index("c")

        def frame_loc(i):
            f = wid * K + i
            j = f % NUM_SAMPLES
            c = f // NUM_SAMPLES
            t = (299 * j) // 31
            return c, j, t

        reads = [None] * K
        writes = [None] * K
        for i in range(K):
            b = i % NBUF
            if i >= NBUF:
                writes[i - NBUF].wait()
            c, j, t = frame_loc(i)
            reads[i] = pltpu.async_copy(
                x_hbm.at[pl.ds(c, 1), pl.ds(t, 1)], bufs.at[b], rsem
            )
            if i >= 1:
                reads[i - 1].wait()
                pc, pj, _ = frame_loc(i - 1)
                writes[i - 1] = pltpu.async_copy(
                    bufs.at[(i - 1) % NBUF],
                    out_hbm.at[pl.ds(pc, 1), pl.ds(pj, 1)],
                    wsem,
                )
        reads[K - 1].wait()
        pc, pj, _ = frame_loc(K - 1)
        writes[K - 1] = pltpu.async_copy(
            bufs.at[(K - 1) % NBUF], out_hbm.at[pl.ds(pc, 1), pl.ds(pj, 1)], wsem
        )
        for i in range(max(0, K - NBUF), K):
            writes[i].wait()

    return k(x)


def kernel(x):
    return _sc_subsample(x)

# --- scband reference (transcript-rebuilt; emitter-appended) ---
"""Pipeline reference for scband-uniform-temporal-subsample-31507880084148 (READ-ONLY COPY).

The authoritative reference and input builder live on the scoring server;
editing this copy changes nothing except your own understanding.
"""

import jax, jax.numpy as jnp
import numpy as np

NUM_SAMPLES = 32
TEMPORAL_DIM = -3


def setup_inputs(seed: int = 0) -> dict:
    key = jax.random.key(seed)
    x = jax.random.normal(key, (3, 300, 224, 224), dtype=jnp.float32)
    return {"x": x}


def reference(x):
    # uniform_temporal_subsample: select NUM_SAMPLES equispaced frames along temporal dim
    t = x.shape[TEMPORAL_DIM]
    assert NUM_SAMPLES > 0 and t > 0
    indices = jnp.linspace(0.0, t - 1, NUM_SAMPLES)
    indices = jnp.clip(indices, 0, t - 1).astype(jnp.int32)
    return jnp.take(x, indices, axis=TEMPORAL_DIM)

if __name__ == "__main__":
    import jax
    _d = setup_inputs()
    print(jax.jit(kernel)(*tuple(_d.values())))

</pallas_src>

<mosaic_0001>
#map = affine_map<(d0, d1) -> (0, 0, 0, 0)>
module attributes {stable_mosaic.version = 14 : i64} {
  func.func @k(%arg0: i32, %arg1: i32, %arg2: memref<3x300x224x224xf32, #tpu.memory_space<hbm>>, %arg3: memref<3x32x224x224xf32, #tpu.memory_space<hbm>>, %arg4: memref<2x1x1x224x224xf32, #tpu.memory_space<vmem>>, %arg5: memref<!tpu.dma_semaphore, #tpu.memory_space<semaphore_mem>>, %arg6: memref<!tpu.dma_semaphore, #tpu.memory_space<semaphore_mem>>) attributes {dimension_semantics = [#tpu.dimension_semantics<core_parallel>, #tpu.dimension_semantics<subcore_parallel>], iteration_bounds = array<i64: 2, 16>, scalar_prefetch = 0 : i64, scratch_operands = 3 : i64, tpu.core_type = #tpu.core_type<sc_vector_subcore>, window_params = [{transform_indices = #map}, {transform_indices = #map}]} {
    %mul3A = arith.constant 2 : i32
    %mul3A_0 = arith.muli %arg1, %mul3A : i32
    %add3A = arith.addi %mul3A_0, %arg0 : i32
    %mul3A_1 = arith.constant 3 : i32
    %mul3A_2 = arith.muli %add3A, %mul3A_1 : i32
    %add3A_3 = arith.constant 0 : i32
    %add3A_4 = arith.addi %mul3A_2, %add3A_3 : i32
    %jit3A = arith.constant 32 : i32
    %eq3A = arith.constant 0 : i32
    %eq3A_5 = arith.cmpi eq, %jit3A, %eq3A : i32
    %jit3A_6 = arith.constant 1 : i32
    %select_n3A = arith.select %eq3A_5, %jit3A_6, %jit3A : i32
    %rem3A = arith.remsi %add3A_4, %select_n3A : i32
    %ne3A = arith.constant 0 : i32
    %ne3A_7 = arith.cmpi ne, %rem3A, %ne3A : i32
    %lt3A = arith.constant 0 : i32
    %lt3A_8 = arith.cmpi slt, %rem3A, %lt3A : i32
    %lt3A_9 = arith.constant 0 : i32
    %lt3A_10 = arith.cmpi slt, %select_n3A, %lt3A_9 : i32
    %ne3A_11 = arith.xori %lt3A_8, %lt3A_10 : i1
    %and3A = arith.andi %ne3A_11, %ne3A_7 : i1
    %add3A_12 = arith.addi %rem3A, %select_n3A : i32
    %select_n3A_13 = arith.select %and3A, %add3A_12, %rem3A : i32
    %jit3A_14 = arith.constant 32 : i32
    %div3A = arith.divsi %add3A_4, %jit3A_14 : i32
    %sign3A = arith.constant 0 : i32
    %sign3A_15 = arith.cmpi sgt, %add3A_4, %sign3A : i32
    %sign3A_16 = arith.extui %sign3A_15 : i1 to i32
    %sign3A_17 = arith.constant 0 : i32
    %sign3A_18 = arith.cmpi slt, %add3A_4, %sign3A_17 : i32
    %sign3A_19 = arith.extui %sign3A_18 : i1 to i32
    %sign3A_20 = arith.subi %sign3A_16, %sign3A_19 : i32
    %sign3A_21 = arith.constant 0 : i32
    %sign3A_22 = arith.cmpi sgt, %jit3A_14, %sign3A_21 : i32
    %sign3A_23 = arith.extui %sign3A_22 : i1 to i32
    %sign3A_24 = arith.constant 0 : i32
    %sign3A_25 = arith.cmpi slt, %jit3A_14, %sign3A_24 : i32
    %sign3A_26 = arith.extui %sign3A_25 : i1 to i32
    %sign3A_27 = arith.subi %sign3A_23, %sign3A_26 : i32
    %ne3A_28 = arith.cmpi ne, %sign3A_20, %sign3A_27 : i32
    %rem3A_29 = arith.remsi %add3A_4, %jit3A_14 : i32
    %ne3A_30 = arith.constant 0 : i32
    %ne3A_31 = arith.cmpi ne, %rem3A_29, %ne3A_30 : i32
    %and3A_32 = arith.andi %ne3A_28, %ne3A_31 : i1
    %sub3A = arith.constant 1 : i32
    %sub3A_33 = arith.subi %div3A, %sub3A : i32
    %select_n3A_34 = arith.select %and3A_32, %sub3A_33, %div3A : i32
    %mul3A_35 = arith.constant 299 : i32
    %mul3A_36 = arith.muli %mul3A_35, %select_n3A_13 : i32
    %jit3A_37 = arith.constant 31 : i32
    %div3A_38 = arith.divsi %mul3A_36, %jit3A_37 : i32
    %sign3A_39 = arith.constant 0 : i32
    %sign3A_40 = arith.cmpi sgt, %mul3A_36, %sign3A_39 : i32
    %sign3A_41 = arith.extui %sign3A_40 : i1 to i32
    %sign3A_42 = arith.constant 0 : i32
    %sign3A_43 = arith.cmpi slt, %mul3A_36, %sign3A_42 : i32
    %sign3A_44 = arith.extui %sign3A_43 : i1 to i32
    %sign3A_45 = arith.subi %sign3A_41, %sign3A_44 : i32
    %sign3A_46 = arith.constant 0 : i32
    %sign3A_47 = arith.cmpi sgt, %jit3A_37, %sign3A_46 : i32
    %sign3A_48 = arith.extui %sign3A_47 : i1 to i32
    %sign3A_49 = arith.constant 0 : i32
    %sign3A_50 = arith.cmpi slt, %jit3A_37, %sign3A_49 : i32
    %sign3A_51 = arith.extui %sign3A_50 : i1 to i32
    %sign3A_52 = arith.subi %sign3A_48, %sign3A_51 : i32
    %ne3A_53 = arith.cmpi ne, %sign3A_45, %sign3A_52 : i32
    %rem3A_54 = arith.remsi %mul3A_36, %jit3A_37 : i32
    %ne3A_55 = arith.constant 0 : i32
    %ne3A_56 = arith.cmpi ne, %rem3A_54, %ne3A_55 : i32
    %and3A_57 = arith.andi %ne3A_53, %ne3A_56 : i1
    %sub3A_58 = arith.constant 1 : i32
    %sub3A_59 = arith.subi %div3A_38, %sub3A_58 : i32
    %select_n3A_60 = arith.select %and3A_57, %sub3A_59, %div3A_38 : i32
    %dma_start3A = arith.constant 0 : i32
    %dma_start3A_61 = arith.constant 0 : i32
    %dma_start3A_62 = arith.constant 0 : i32
    %dma_start3A_63 = arith.constant 0 : i32
    %dma_start3A_64 = arith.constant 0 : i32
    %dma_start3A_65 = tpu.memref_slice %arg4[%dma_start3A, %dma_start3A_61, %dma_start3A_62, %dma_start3A_63, %dma_start3A_64] : memref<2x1x1x224x224xf32, #tpu.memory_space<vmem>> -> memref<1x1x1x224x224xf32, #tpu.memory_space<vmem>>
    %dma_start3A_66 = tpu.memref_squeeze %dma_start3A_65 : memref<1x1x1x224x224xf32, #tpu.memory_space<vmem>> -> memref<1x1x224x224xf32, #tpu.memory_space<vmem>>
    %dma_start3A_67 = arith.constant 0 : i32
    %dma_start3A_68 = arith.constant 0 : i32
    %dma_start3A_69 = tpu.memref_slice %arg2[%select_n3A_34, %select_n3A_60, %dma_start3A_67, %dma_start3A_68] : memref<3x300x224x224xf32, #tpu.memory_space<hbm>> -> memref<1x1x224x224xf32, #tpu.memory_space<hbm>>
    %dma_start3A_70 = arith.constant 0 : i32
    %dma_start3A_71 = arith.constant 0 : i32
    %dma_start3A_72 = arith.constant 0 : i32
    %dma_start3A_73 = arith.constant 0 : i32
    %dma_start3A_74 = tpu.memref_slice %arg4[%dma_start3A, %dma_start3A_70, %dma_start3A_71, %dma_start3A_72, %dma_start3A_73] : memref<2x1x1x224x224xf32, #tpu.memory_space<vmem>> -> memref<1x1x1x224x224xf32, #tpu.memory_space<vmem>>
    %dma_start3A_75 = tpu.memref_squeeze %dma_start3A_74 : memref<1x1x1x224x224xf32, #tpu.memory_space<vmem>> -> memref<1x1x224x224xf32, #tpu.memory_space<vmem>>
    %dma_start3A_76 = arith.constant 0 : i32
    %dma_start3A_77 = arith.constant 0 : i32
    %dma_start3A_78 = tpu.memref_slice %arg2[%select_n3A_34, %select_n3A_60, %dma_start3A_76, %dma_start3A_77] : memref<3x300x224x224xf32, #tpu.memory_space<hbm>> -> memref<1x1x224x224xf32, #tpu.memory_space<hbm>>
    tpu.enqueue_dma source(%dma_start3A_78 : memref<1x1x224x224xf32, #tpu.memory_space<hbm>>) target(%dma_start3A_75 : memref<1x1x224x224xf32, #tpu.memory_space<vmem>>) target_semaphore(%arg5 : memref<!tpu.dma_semaphore, #tpu.memory_space<semaphore_mem>>)
    %mul3A_79 = arith.constant 3 : i32
    %mul3A_80 = arith.muli %add3A, %mul3A_79 : i32
    %add3A_81 = arith.constant 1 : i32
    %add3A_82 = arith.addi %mul3A_80, %add3A_81 : i32
    %jit3A_83 = arith.constant 32 : i32
    %eq3A_84 = arith.constant 0 : i32
    %eq3A_85 = arith.cmpi eq, %jit3A_83, %eq3A_84 : i32
    %jit3A_86 = arith.constant 1 : i32
    %select_n3A_87 = arith.select %eq3A_85, %jit3A_86, %jit3A_83 : i32
    %rem3A_88 = arith.remsi %add3A_82, %select_n3A_87 : i32
    %ne3A_89 = arith.constant 0 : i32
    %ne3A_90 = arith.cmpi ne, %rem3A_88, %ne3A_89 : i32
    %lt3A_91 = arith.constant 0 : i32
    %lt3A_92 = arith.cmpi slt, %rem3A_88, %lt3A_91 : i32
    %lt3A_93 = arith.constant 0 : i32
    %lt3A_94 = arith.cmpi slt, %select_n3A_87, %lt3A_93 : i32
    %ne3A_95 = arith.xori %lt3A_92, %lt3A_94 : i1
    %and3A_96 = arith.andi %ne3A_95, %ne3A_90 : i1
    %add3A_97 = arith.addi %rem3A_88, %select_n3A_87 : i32
    %select_n3A_98 = arith.select %and3A_96, %add3A_97, %rem3A_88 : i32
    %jit3A_99 = arith.constant 32 : i32
    %div3A_100 = arith.divsi %add3A_82, %jit3A_99 : i32
    %sign3A_101 = arith.constant 0 : i32
    %sign3A_102 = arith.cmpi sgt, %add3A_82, %sign3A_101 : i32
    %sign3A_103 = arith.extui %sign3A_102 : i1 to i32
    %sign3A_104 = arith.constant 0 : i32
    %sign3A_105 = arith.cmpi slt, %add3A_82, %sign3A_104 : i32
    %sign3A_106 = arith.extui %sign3A_105 : i1 to i32
    %sign3A_107 = arith.subi %sign3A_103, %sign3A_106 : i32
    %sign3A_108 = arith.constant 0 : i32
    %sign3A_109 = arith.cmpi sgt, %jit3A_99, %sign3A_108 : i32
    %sign3A_110 = arith.extui %sign3A_109 : i1 to i32
    %sign3A_111 = arith.constant 0 : i32
    %sign3A_112 = arith.cmpi slt, %jit3A_99, %sign3A_111 : i32
    %sign3A_113 = arith.extui %sign3A_112 : i1 to i32
    %sign3A_114 = arith.subi %sign3A_110, %sign3A_113 : i32
    %ne3A_115 = arith.cmpi ne, %sign3A_107, %sign3A_114 : i32
    %rem3A_116 = arith.remsi %add3A_82, %jit3A_99 : i32
    %ne3A_117 = arith.constant 0 : i32
    %ne3A_118 = arith.cmpi ne, %rem3A_116, %ne3A_117 : i32
    %and3A_119 = arith.andi %ne3A_115, %ne3A_118 : i1
    %sub3A_120 = arith.constant 1 : i32
    %sub3A_121 = arith.subi %div3A_100, %sub3A_120 : i32
    %select_n3A_122 = arith.select %and3A_119, %sub3A_121, %div3A_100 : i32
    %mul3A_123 = arith.constant 299 : i32
    %mul3A_124 = arith.muli %mul3A_123, %select_n3A_98 : i32
    %jit3A_125 = arith.constant 31 : i32
    %div3A_126 = arith.divsi %mul3A_124, %jit3A_125 : i32
    %sign3A_127 = arith.constant 0 : i32
    %sign3A_128 = arith.cmpi sgt, %mul3A_124, %sign3A_127 : i32
    %sign3A_129 = arith.extui %sign3A_128 : i1 to i32
    %sign3A_130 = arith.constant 0 : i32
    %sign3A_131 = arith.cmpi slt, %mul3A_124, %sign3A_130 : i32
    %sign3A_132 = arith.extui %sign3A_131 : i1 to i32
    %sign3A_133 = arith.subi %sign3A_129, %sign3A_132 : i32
    %sign3A_134 = arith.constant 0 : i32
    %sign3A_135 = arith.cmpi sgt, %jit3A_125, %sign3A_134 : i32
    %sign3A_136 = arith.extui %sign3A_135 : i1 to i32
    %sign3A_137 = arith.constant 0 : i32
    %sign3A_138 = arith.cmpi slt, %jit3A_125, %sign3A_137 : i32
    %sign3A_139 = arith.extui %sign3A_138 : i1 to i32
    %sign3A_140 = arith.subi %sign3A_136, %sign3A_139 : i32
    %ne3A_141 = arith.cmpi ne, %sign3A_133, %sign3A_140 : i32
    %rem3A_142 = arith.remsi %mul3A_124, %jit3A_125 : i32
    %ne3A_143 = arith.constant 0 : i32
    %ne3A_144 = arith.cmpi ne, %rem3A_142, %ne3A_143 : i32
    %and3A_145 = arith.andi %ne3A_141, %ne3A_144 : i1
    %sub3A_146 = arith.constant 1 : i32
    %sub3A_147 = arith.subi %div3A_126, %sub3A_146 : i32
    %select_n3A_148 = arith.select %and3A_145, %sub3A_147, %div3A_126 : i32
    %dma_start3A_149 = arith.constant 1 : i32
    %dma_start3A_150 = arith.constant 0 : i32
    %dma_start3A_151 = arith.constant 0 : i32
    %dma_start3A_152 = arith.constant 0 : i32
    %dma_start3A_153 = arith.constant 0 : i32
    %dma_start3A_154 = tpu.memref_slice %arg4[%dma_start3A_149, %dma_start3A_150, %dma_start3A_151, %dma_start3A_152, %dma_start3A_153] : memref<2x1x1x224x224xf32, #tpu.memory_space<vmem>> -> memref<1x1x1x224x224xf32, #tpu.memory_space<vmem>>
    %dma_start3A_155 = tpu.memref_squeeze %dma_start3A_154 : memref<1x1x1x224x224xf32, #tpu.memory_space<vmem>> -> memref<1x1x224x224xf32, #tpu.memory_space<vmem>>
    %dma_start3A_156 = arith.constant 0 : i32
    %dma_start3A_157 = arith.constant 0 : i32
    %dma_start3A_158 = tpu.memref_slice %arg2[%select_n3A_122, %select_n3A_148, %dma_start3A_156, %dma_start3A_157] : memref<3x300x224x224xf32, #tpu.memory_space<hbm>> -> memref<1x1x224x224xf32, #tpu.memory_space<hbm>>
    %dma_start3A_159 = arith.constant 0 : i32
    %dma_start3A_160 = arith.constant 0 : i32
    %dma_start3A_161 = arith.constant 0 : i32
    %dma_start3A_162 = arith.constant 0 : i32
    %dma_start3A_163 = tpu.memref_slice %arg4[%dma_start3A_149, %dma_start3A_159, %dma_start3A_160, %dma_start3A_161, %dma_start3A_162] : memref<2x1x1x224x224xf32, #tpu.memory_space<vmem>> -> memref<1x1x1x224x224xf32, #tpu.memory_space<vmem>>
    %dma_start3A_164 = tpu.memref_squeeze %dma_start3A_163 : memref<1x1x1x224x224xf32, #tpu.memory_space<vmem>> -> memref<1x1x224x224xf32, #tpu.memory_space<vmem>>
    %dma_start3A_165 = arith.constant 0 : i32
    %dma_start3A_166 = arith.constant 0 : i32
    %dma_start3A_167 = tpu.memref_slice %arg2[%select_n3A_122, %select_n3A_148, %dma_start3A_165, %dma_start3A_166] : memref<3x300x224x224xf32, #tpu.memory_space<hbm>> -> memref<1x1x224x224xf32, #tpu.memory_space<hbm>>
    tpu.enqueue_dma source(%dma_start3A_167 : memref<1x1x224x224xf32, #tpu.memory_space<hbm>>) target(%dma_start3A_164 : memref<1x1x224x224xf32, #tpu.memory_space<vmem>>) target_semaphore(%arg5 : memref<!tpu.dma_semaphore, #tpu.memory_space<semaphore_mem>>)
    %dma_wait3A = arith.constant 0 : i32
    %dma_wait3A_168 = arith.constant 0 : i32
    %dma_wait3A_169 = arith.constant 0 : i32
    %dma_wait3A_170 = arith.constant 0 : i32
    %dma_wait3A_171 = arith.constant 0 : i32
    %dma_wait3A_172 = tpu.memref_slice %arg4[%dma_wait3A, %dma_wait3A_168, %dma_wait3A_169, %dma_wait3A_170, %dma_wait3A_171] : memref<2x1x1x224x224xf32, #tpu.memory_space<vmem>> -> memref<1x1x1x224x224xf32, #tpu.memory_space<vmem>>
    %dma_wait3A_173 = tpu.memref_squeeze %dma_wait3A_172 : memref<1x1x1x224x224xf32, #tpu.memory_space<vmem>> -> memref<1x1x224x224xf32, #tpu.memory_space<vmem>>
    %dma_wait3A_174 = arith.constant 0 : i32
    %dma_wait3A_175 = arith.constant 0 : i32
    %dma_wait3A_176 = tpu.memref_slice %arg2[%select_n3A_34, %select_n3A_60, %dma_wait3A_174, %dma_wait3A_175] : memref<3x300x224x224xf32, #tpu.memory_space<hbm>> -> memref<1x1x224x224xf32, #tpu.memory_space<hbm>>
    %dma_wait3A_177 = arith.constant 0 : i32
    %dma_wait3A_178 = arith.constant 0 : i32
    %dma_wait3A_179 = arith.constant 0 : i32
    %dma_wait3A_180 = arith.constant 0 : i32
    %dma_wait3A_181 = tpu.memref_slice %arg4[%dma_wait3A, %dma_wait3A_177, %dma_wait3A_178, %dma_wait3A_179, %dma_wait3A_180] : memref<2x1x1x224x224xf32, #tpu.memory_space<vmem>> -> memref<1x1x1x224x224xf32, #tpu.memory_space<vmem>>
    %dma_wait3A_182 = tpu.memref_squeeze %dma_wait3A_181 : memref<1x1x1x224x224xf32, #tpu.memory_space<vmem>> -> memref<1x1x224x224xf32, #tpu.memory_space<vmem>>
    %dma_wait3A_183 = arith.constant 0 : i32
    %dma_wait3A_184 = arith.constant 0 : i32
    %dma_wait3A_185 = tpu.memref_slice %arg2[%select_n3A_34, %select_n3A_60, %dma_wait3A_183, %dma_wait3A_184] : memref<3x300x224x224xf32, #tpu.memory_space<hbm>> -> memref<1x1x224x224xf32, #tpu.memory_space<hbm>>
    tpu.wait_dma2 semaphore(%arg5 : memref<!tpu.dma_semaphore, #tpu.memory_space<semaphore_mem>>) src(%dma_wait3A_185 : memref<1x1x224x224xf32, #tpu.memory_space<hbm>>) dst(%dma_wait3A_182 : memref<1x1x224x224xf32, #tpu.memory_space<vmem>>)
    %mul3A_186 = arith.constant 3 : i32
    %mul3A_187 = arith.muli %add3A, %mul3A_186 : i32
    %add3A_188 = arith.constant 0 : i32
    %add3A_189 = arith.addi %mul3A_187, %add3A_188 : i32
    %jit3A_190 = arith.constant 32 : i32
    %eq3A_191 = arith.constant 0 : i32
    %eq3A_192 = arith.cmpi eq, %jit3A_190, %eq3A_191 : i32
    %jit3A_193 = arith.constant 1 : i32
    %select_n3A_194 = arith.select %eq3A_192, %jit3A_193, %jit3A_190 : i32
    %rem3A_195 = arith.remsi %add3A_189, %select_n3A_194 : i32
    %ne3A_196 = arith.constant 0 : i32
    %ne3A_197 = arith.cmpi ne, %rem3A_195, %ne3A_196 : i32
    %lt3A_198 = arith.constant 0 : i32
    %lt3A_199 = arith.cmpi slt, %rem3A_195, %lt3A_198 : i32
    %lt3A_200 = arith.constant 0 : i32
    %lt3A_201 = arith.cmpi slt, %select_n3A_194, %lt3A_200 : i32
    %ne3A_202 = arith.xori %lt3A_199, %lt3A_201 : i1
    %and3A_203 = arith.andi %ne3A_202, %ne3A_197 : i1
    %add3A_204 = arith.addi %rem3A_195, %select_n3A_194 : i32
    %select_n3A_205 = arith.select %and3A_203, %add3A_204, %rem3A_195 : i32
    %jit3A_206 = arith.constant 32 : i32
    %div3A_207 = arith.divsi %add3A_189, %jit3A_206 : i32
    %sign3A_208 = arith.constant 0 : i32
    %sign3A_209 = arith.cmpi sgt, %add3A_189, %sign3A_208 : i32
    %sign3A_210 = arith.extui %sign3A_209 : i1 to i32
    %sign3A_211 = arith.constant 0 : i32
    %sign3A_212 = arith.cmpi slt, %add3A_189, %sign3A_211 : i32
    %sign3A_213 = arith.extui %sign3A_212 : i1 to i32
    %sign3A_214 = arith.subi %sign3A_210, %sign3A_213 : i32
    %sign3A_215 = arith.constant 0 : i32
    %sign3A_216 = arith.cmpi sgt, %jit3A_206, %sign3A_215 : i32
    %sign3A_217 = arith.extui %sign3A_216 : i1 to i32
    %sign3A_218 = arith.constant 0 : i32
    %sign3A_219 = arith.cmpi slt, %jit3A_206, %sign3A_218 : i32
    %sign3A_220 = arith.extui %sign3A_219 : i1 to i32
    %sign3A_221 = arith.subi %sign3A_217, %sign3A_220 : i32
    %ne3A_222 = arith.cmpi ne, %sign3A_214, %sign3A_221 : i32
    %rem3A_223 = arith.remsi %add3A_189, %jit3A_206 : i32
    %ne3A_224 = arith.constant 0 : i32
    %ne3A_225 = arith.cmpi ne, %rem3A_223, %ne3A_224 : i32
    %and3A_226 = arith.andi %ne3A_222, %ne3A_225 : i1
    %sub3A_227 = arith.constant 1 : i32
    %sub3A_228 = arith.subi %div3A_207, %sub3A_227 : i32
    %select_n3A_229 = arith.select %and3A_226, %sub3A_228, %div3A_207 : i32
    %mul3A_230 = arith.constant 299 : i32
    %mul3A_231 = arith.muli %mul3A_230, %select_n3A_205 : i32
    %jit3A_232 = arith.constant 31 : i32
    %div3A_233 = arith.divsi %mul3A_231, %jit3A_232 : i32
    %sign3A_234 = arith.constant 0 : i32
    %sign3A_235 = arith.cmpi sgt, %mul3A_231, %sign3A_234 : i32
    %sign3A_236 = arith.extui %sign3A_235 : i1 to i32
    %sign3A_237 = arith.constant 0 : i32
    %sign3A_238 = arith.cmpi slt, %mul3A_231, %sign3A_237 : i32
    %sign3A_239 = arith.extui %sign3A_238 : i1 to i32
    %sign3A_240 = arith.subi %sign3A_236, %sign3A_239 : i32
    %sign3A_241 = arith.constant 0 : i32
    %sign3A_242 = arith.cmpi sgt, %jit3A_232, %sign3A_241 : i32
    %sign3A_243 = arith.extui %sign3A_242 : i1 to i32
    %sign3A_244 = arith.constant 0 : i32
    %sign3A_245 = arith.cmpi slt, %jit3A_232, %sign3A_244 : i32
    %sign3A_246 = arith.extui %sign3A_245 : i1 to i32
    %sign3A_247 = arith.subi %sign3A_243, %sign3A_246 : i32
    %ne3A_248 = arith.cmpi ne, %sign3A_240, %sign3A_247 : i32
    %rem3A_249 = arith.remsi %mul3A_231, %jit3A_232 : i32
    %ne3A_250 = arith.constant 0 : i32
    %ne3A_251 = arith.cmpi ne, %rem3A_249, %ne3A_250 : i32
    %and3A_252 = arith.andi %ne3A_248, %ne3A_251 : i1
    %sub3A_253 = arith.constant 1 : i32
    %sub3A_254 = arith.subi %div3A_233, %sub3A_253 : i32
    %select_n3A_255 = arith.select %and3A_252, %sub3A_254, %div3A_233 : i32
    %dma_start3A_256 = arith.constant 0 : i32
    %dma_start3A_257 = arith.constant 0 : i32
    %dma_start3A_258 = arith.constant 0 : i32
    %dma_start3A_259 = arith.constant 0 : i32
    %dma_start3A_260 = arith.constant 0 : i32
    %dma_start3A_261 = tpu.memref_slice %arg4[%dma_start3A_256, %dma_start3A_257, %dma_start3A_258, %dma_start3A_259, %dma_start3A_260] : memref<2x1x1x224x224xf32, #tpu.memory_space<vmem>> -> memref<1x1x1x224x224xf32, #tpu.memory_space<vmem>>
    %dma_start3A_262 = tpu.memref_squeeze %dma_start3A_261 : memref<1x1x1x224x224xf32, #tpu.memory_space<vmem>> -> memref<1x1x224x224xf32, #tpu.memory_space<vmem>>
    %dma_start3A_263 = arith.constant 0 : i32
    %dma_start3A_264 = arith.constant 0 : i32
    %dma_start3A_265 = tpu.memref_slice %arg3[%select_n3A_229, %select_n3A_205, %dma_start3A_263, %dma_start3A_264] : memref<3x32x224x224xf32, #tpu.memory_space<hbm>> -> memref<1x1x224x224xf32, #tpu.memory_space<hbm>>
    %dma_start3A_266 = arith.constant 0 : i32
    %dma_start3A_267 = arith.constant 0 : i32
    %dma_start3A_268 = tpu.memref_slice %arg3[%select_n3A_229, %select_n3A_205, %dma_start3A_266, %dma_start3A_267] : memref<3x32x224x224xf32, #tpu.memory_space<hbm>> -> memref<1x1x224x224xf32, #tpu.memory_space<hbm>>
    %dma_start3A_269 = arith.constant 0 : i32
    %dma_start3A_270 = arith.constant 0 : i32
    %dma_start3A_271 = arith.constant 0 : i32
    %dma_start3A_272 = arith.constant 0 : i32
    %dma_start3A_273 = tpu.memref_slice %arg4[%dma_start3A_256, %dma_start3A_269, %dma_start3A_270, %dma_start3A_271, %dma_start3A_272] : memref<2x1x1x224x224xf32, #tpu.memory_space<vmem>> -> memref<1x1x1x224x224xf32, #tpu.memory_space<vmem>>
    %dma_start3A_274 = tpu.memref_squeeze %dma_start3A_273 : memref<1x1x1x224x224xf32, #tpu.memory_space<vmem>> -> memref<1x1x224x224xf32, #tpu.memory_space<vmem>>
    tpu.enqueue_dma source(%dma_start3A_274 : memref<1x1x224x224xf32, #tpu.memory_space<vmem>>) target(%dma_start3A_268 : memref<1x1x224x224xf32, #tpu.memory_space<hbm>>) target_semaphore(%arg6 : memref<!tpu.dma_semaphore, #tpu.memory_space<semaphore_mem>>)
    %dma_wait3A_275 = arith.constant 0 : i32
    %dma_wait3A_276 = arith.constant 0 : i32
    %dma_wait3A_277 = arith.constant 0 : i32
    %dma_wait3A_278 = arith.constant 0 : i32
    %dma_wait3A_279 = arith.constant 0 : i32
    %dma_wait3A_280 = tpu.memref_slice %arg4[%dma_wait3A_275, %dma_wait3A_276, %dma_wait3A_277, %dma_wait3A_278, %dma_wait3A_279] : memref<2x1x1x224x224xf32, #tpu.memory_space<vmem>> -> memref<1x1x1x224x224xf32, #tpu.memory_space<vmem>>
    %dma_wait3A_281 = tpu.memref_squeeze %dma_wait3A_280 : memref<1x1x1x224x224xf32, #tpu.memory_space<vmem>> -> memref<1x1x224x224xf32, #tpu.memory_space<vmem>>
    %dma_wait3A_282 = arith.constant 0 : i32
    %dma_wait3A_283 = arith.constant 0 : i32
    %dma_wait3A_284 = tpu.memref_slice %arg3[%select_n3A_229, %select_n3A_205, %dma_wait3A_282, %dma_wait3A_283] : memref<3x32x224x224xf32, #tpu.memory_space<hbm>> -> memref<1x1x224x224xf32, #tpu.memory_space<hbm>>
    %dma_wait3A_285 = arith.constant 0 : i32
    %dma_wait3A_286 = arith.constant 0 : i32
    %dma_wait3A_287 = tpu.memref_slice %arg3[%select_n3A_229, %select_n3A_205, %dma_wait3A_285, %dma_wait3A_286] : memref<3x32x224x224xf32, #tpu.memory_space<hbm>> -> memref<1x1x224x224xf32, #tpu.memory_space<hbm>>
    %dma_wait3A_288 = arith.constant 0 : i32
    %dma_wait3A_289 = arith.constant 0 : i32
    %dma_wait3A_290 = arith.constant 0 : i32
    %dma_wait3A_291 = arith.constant 0 : i32
    %dma_wait3A_292 = tpu.memref_slice %arg4[%dma_wait3A_275, %dma_wait3A_288, %dma_wait3A_289, %dma_wait3A_290, %dma_wait3A_291] : memref<2x1x1x224x224xf32, #tpu.memory_space<vmem>> -> memref<1x1x1x224x224xf32, #tpu.memory_space<vmem>>
    %dma_wait3A_293 = tpu.memref_squeeze %dma_wait3A_292 : memref<1x1x1x224x224xf32, #tpu.memory_space<vmem>> -> memref<1x1x224x224xf32, #tpu.memory_space<vmem>>
    tpu.wait_dma2 semaphore(%arg6 : memref<!tpu.dma_semaphore, #tpu.memory_space<semaphore_mem>>) src(%dma_wait3A_293 : memref<1x1x224x224xf32, #tpu.memory_space<vmem>>) dst(%dma_wait3A_287 : memref<1x1x224x224xf32, #tpu.memory_space<hbm>>)
    %mul3A_294 = arith.constant 3 : i32
    %mul3A_295 = arith.muli %add3A, %mul3A_294 : i32
    %add3A_296 = arith.constant 2 : i32
    %add3A_297 = arith.addi %mul3A_295, %add3A_296 : i32
    %jit3A_298 = arith.constant 32 : i32
    %eq3A_299 = arith.constant 0 : i32
    %eq3A_300 = arith.cmpi eq, %jit3A_298, %eq3A_299 : i32
    %jit3A_301 = arith.constant 1 : i32
    %select_n3A_302 = arith.select %eq3A_300, %jit3A_301, %jit3A_298 : i32
    %rem3A_303 = arith.remsi %add3A_297, %select_n3A_302 : i32
    %ne3A_304 = arith.constant 0 : i32
    %ne3A_305 = arith.cmpi ne, %rem3A_303, %ne3A_304 : i32
    %lt3A_306 = arith.constant 0 : i32
    %lt3A_307 = arith.cmpi slt, %rem3A_303, %lt3A_306 : i32
    %lt3A_308 = arith.constant 0 : i32
    %lt3A_309 = arith.cmpi slt, %select_n3A_302, %lt3A_308 : i32
    %ne3A_310 = arith.xori %lt3A_307, %lt3A_309 : i1
    %and3A_311 = arith.andi %ne3A_310, %ne3A_305 : i1
    %add3A_312 = arith.addi %rem3A_303, %select_n3A_302 : i32
    %select_n3A_313 = arith.select %and3A_311, %add3A_312, %rem3A_303 : i32
    %jit3A_314 = arith.constant 32 : i32
    %div3A_315 = arith.divsi %add3A_297, %jit3A_314 : i32
    %sign3A_316 = arith.constant 0 : i32
    %sign3A_317 = arith.cmpi sgt, %add3A_297, %sign3A_316 : i32
    %sign3A_318 = arith.extui %sign3A_317 : i1 to i32
    %sign3A_319 = arith.constant 0 : i32
    %sign3A_320 = arith.cmpi slt, %add3A_297, %sign3A_319 : i32
    %sign3A_321 = arith.extui %sign3A_320 : i1 to i32
    %sign3A_322 = arith.subi %sign3A_318, %sign3A_321 : i32
    %sign3A_323 = arith.constant 0 : i32
    %sign3A_324 = arith.cmpi sgt, %jit3A_314, %sign3A_323 : i32
    %sign3A_325 = arith.extui %sign3A_324 : i1 to i32
    %sign3A_326 = arith.constant 0 : i32
    %sign3A_327 = arith.cmpi slt, %jit3A_314, %sign3A_326 : i32
    %sign3A_328 = arith.extui %sign3A_327 : i1 to i32
    %sign3A_329 = arith.subi %sign3A_325, %sign3A_328 : i32
    %ne3A_330 = arith.cmpi ne, %sign3A_322, %sign3A_329 : i32
    %rem3A_331 = arith.remsi %add3A_297, %jit3A_314 : i32
    %ne3A_332 = arith.constant 0 : i32
    %ne3A_333 = arith.cmpi ne, %rem3A_331, %ne3A_332 : i32
    %and3A_334 = arith.andi %ne3A_330, %ne3A_333 : i1
    %sub3A_335 = arith.constant 1 : i32
    %sub3A_336 = arith.subi %div3A_315, %sub3A_335 : i32
    %select_n3A_337 = arith.select %and3A_334, %sub3A_336, %div3A_315 : i32
    %mul3A_338 = arith.constant 299 : i32
    %mul3A_339 = arith.muli %mul3A_338, %select_n3A_313 : i32
    %jit3A_340 = arith.constant 31 : i32
    %div3A_341 = arith.divsi %mul3A_339, %jit3A_340 : i32
    %sign3A_342 = arith.constant 0 : i32
    %sign3A_343 = arith.cmpi sgt, %mul3A_339, %sign3A_342 : i32
    %sign3A_344 = arith.extui %sign3A_343 : i1 to i32
    %sign3A_345 = arith.constant 0 : i32
    %sign3A_346 = arith.cmpi slt, %mul3A_339, %sign3A_345 : i32
    %sign3A_347 = arith.extui %sign3A_346 : i1 to i32
    %sign3A_348 = arith.subi %sign3A_344, %sign3A_347 : i32
    %sign3A_349 = arith.constant 0 : i32
    %sign3A_350 = arith.cmpi sgt, %jit3A_340, %sign3A_349 : i32
    %sign3A_351 = arith.extui %sign3A_350 : i1 to i32
    %sign3A_352 = arith.constant 0 : i32
    %sign3A_353 = arith.cmpi slt, %jit3A_340, %sign3A_352 : i32
    %sign3A_354 = arith.extui %sign3A_353 : i1 to i32
    %sign3A_355 = arith.subi %sign3A_351, %sign3A_354 : i32
    %ne3A_356 = arith.cmpi ne, %sign3A_348, %sign3A_355 : i32
    %rem3A_357 = arith.remsi %mul3A_339, %jit3A_340 : i32
    %ne3A_358 = arith.constant 0 : i32
    %ne3A_359 = arith.cmpi ne, %rem3A_357, %ne3A_358 : i32
    %and3A_360 = arith.andi %ne3A_356, %ne3A_359 : i1
    %sub3A_361 = arith.constant 1 : i32
    %sub3A_362 = arith.subi %div3A_341, %sub3A_361 : i32
    %select_n3A_363 = arith.select %and3A_360, %sub3A_362, %div3A_341 : i32
    %dma_start3A_364 = arith.constant 0 : i32
    %dma_start3A_365 = arith.constant 0 : i32
    %dma_start3A_366 = arith.constant 0 : i32
    %dma_start3A_367 = arith.constant 0 : i32
    %dma_start3A_368 = arith.constant 0 : i32
    %dma_start3A_369 = tpu.memref_slice %arg4[%dma_start3A_364, %dma_start3A_365, %dma_start3A_366, %dma_start3A_367, %dma_start3A_368] : memref<2x1x1x224x224xf32, #tpu.memory_space<vmem>> -> memref<1x1x1x224x224xf32, #tpu.memory_space<vmem>>
    %dma_start3A_370 = tpu.memref_squeeze %dma_start3A_369 : memref<1x1x1x224x224xf32, #tpu.memory_space<vmem>> -> memref<1x1x224x224xf32, #tpu.memory_space<vmem>>
    %dma_start3A_371 = arith.constant 0 : i32
    %dma_start3A_372 = arith.constant 0 : i32
    %dma_start3A_373 = tpu.memref_slice %arg2[%select_n3A_337, %select_n3A_363, %dma_start3A_371, %dma_start3A_372] : memref<3x300x224x224xf32, #tpu.memory_space<hbm>> -> memref<1x1x224x224xf32, #tpu.memory_space<hbm>>
    %dma_start3A_374 = arith.constant 0 : i32
    %dma_start3A_375 = arith.constant 0 : i32
    %dma_start3A_376 = arith.constant 0 : i32
    %dma_start3A_377 = arith.constant 0 : i32
    %dma_start3A_378 = tpu.memref_slice %arg4[%dma_start3A_364, %dma_start3A_374, %dma_start3A_375, %dma_start3A_376, %dma_start3A_377] : memref<2x1x1x224x224xf32, #tpu.memory_space<vmem>> -> memref<1x1x1x224x224xf32, #tpu.memory_space<vmem>>
    %dma_start3A_379 = tpu.memref_squeeze %dma_start3A_378 : memref<1x1x1x224x224xf32, #tpu.memory_space<vmem>> -> memref<1x1x224x224xf32, #tpu.memory_space<vmem>>
    %dma_start3A_380 = arith.constant 0 : i32
    %dma_start3A_381 = arith.constant 0 : i32
    %dma_start3A_382 = tpu.memref_slice %arg2[%select_n3A_337, %select_n3A_363, %dma_start3A_380, %dma_start3A_381] : memref<3x300x224x224xf32, #tpu.memory_space<hbm>> -> memref<1x1x224x224xf32, #tpu.memory_space<hbm>>
    tpu.enqueue_dma source(%dma_start3A_382 : memref<1x1x224x224xf32, #tpu.memory_space<hbm>>) target(%dma_start3A_379 : memref<1x1x224x224xf32, #tpu.memory_space<vmem>>) target_semaphore(%arg5 : memref<!tpu.dma_semaphore, #tpu.memory_space<semaphore_mem>>)
    %dma_wait3A_383 = arith.constant 1 : i32
    %dma_wait3A_384 = arith.constant 0 : i32
    %dma_wait3A_385 = arith.constant 0 : i32
    %dma_wait3A_386 = arith.constant 0 : i32
    %dma_wait3A_387 = arith.constant 0 : i32
    %dma_wait3A_388 = tpu.memref_slice %arg4[%dma_wait3A_383, %dma_wait3A_384, %dma_wait3A_385, %dma_wait3A_386, %dma_wait3A_387] : memref<2x1x1x224x224xf32, #tpu.memory_space<vmem>> -> memref<1x1x1x224x224xf32, #tpu.memory_space<vmem>>
    %dma_wait3A_389 = tpu.memref_squeeze %dma_wait3A_388 : memref<1x1x1x224x224xf32, #tpu.memory_space<vmem>> -> memref<1x1x224x224xf32, #tpu.memory_space<vmem>>
    %dma_wait3A_390 = arith.constant 0 : i32
    %dma_wait3A_391 = arith.constant 0 : i32
    %dma_wait3A_392 = tpu.memref_slice %arg2[%select_n3A_122, %select_n3A_148, %dma_wait3A_390, %dma_wait3A_391] : memref<3x300x224x224xf32, #tpu.memory_space<hbm>> -> memref<1x1x224x224xf32, #tpu.memory_space<hbm>>
    %dma_wait3A_393 = arith.constant 0 : i32
    %dma_wait3A_394 = arith.constant 0 : i32
    %dma_wait3A_395 = arith.constant 0 : i32
    %dma_wait3A_396 = arith.constant 0 : i32
    %dma_wait3A_397 = tpu.memref_slice %arg4[%dma_wait3A_383, %dma_wait3A_393, %dma_wait3A_394, %dma_wait3A_395, %dma_wait3A_396] : memref<2x1x1x224x224xf32, #tpu.memory_space<vmem>> -> memref<1x1x1x224x224xf32, #tpu.memory_space<vmem>>
    %dma_wait3A_398 = tpu.memref_squeeze %dma_wait3A_397 : memref<1x1x1x224x224xf32, #tpu.memory_space<vmem>> -> memref<1x1x224x224xf32, #tpu.memory_space<vmem>>
    %dma_wait3A_399 = arith.constant 0 : i32
    %dma_wait3A_400 = arith.constant 0 : i32
    %dma_wait3A_401 = tpu.memref_slice %arg2[%select_n3A_122, %select_n3A_148, %dma_wait3A_399, %dma_wait3A_400] : memref<3x300x224x224xf32, #tpu.memory_space<hbm>> -> memref<1x1x224x224xf32, #tpu.memory_space<hbm>>
    tpu.wait_dma2 semaphore(%arg5 : memref<!tpu.dma_semaphore, #tpu.memory_space<semaphore_mem>>) src(%dma_wait3A_401 : memref<1x1x224x224xf32, #tpu.memory_space<hbm>>) dst(%dma_wait3A_398 : memref<1x1x224x224xf32, #tpu.memory_space<vmem>>)
    %mul3A_402 = arith.constant 3 : i32
    %mul3A_403 = arith.muli %add3A, %mul3A_402 : i32
    %add3A_404 = arith.constant 1 : i32
    %add3A_405 = arith.addi %mul3A_403, %add3A_404 : i32
    %jit3A_406 = arith.constant 32 : i32
    %eq3A_407 = arith.constant 0 : i32
    %eq3A_408 = arith.cmpi eq, %jit3A_406, %eq3A_407 : i32
    %jit3A_409 = arith.constant 1 : i32
    %select_n3A_410 = arith.select %eq3A_408, %jit3A_409, %jit3A_406 : i32
    %rem3A_411 = arith.remsi %add3A_405, %select_n3A_410 : i32
    %ne3A_412 = arith.constant 0 : i32
    %ne3A_413 = arith.cmpi ne, %rem3A_411, %ne3A_412 : i32
    %lt3A_414 = arith.constant 0 : i32
    %lt3A_415 = arith.cmpi slt, %rem3A_411, %lt3A_414 : i32
    %lt3A_416 = arith.constant 0 : i32
    %lt3A_417 = arith.cmpi slt, %select_n3A_410, %lt3A_416 : i32
    %ne3A_418 = arith.xori %lt3A_415, %lt3A_417 : i1
    %and3A_419 = arith.andi %ne3A_418, %ne3A_413 : i1
    %add3A_420 = arith.addi %rem3A_411, %select_n3A_410 : i32
    %select_n3A_421 = arith.select %and3A_419, %add3A_420, %rem3A_411 : i32
    %jit3A_422 = arith.constant 32 : i32
    %div3A_423 = arith.divsi %add3A_405, %jit3A_422 : i32
    %sign3A_424 = arith.constant 0 : i32
    %sign3A_425 = arith.cmpi sgt, %add3A_405, %sign3A_424 : i32
    %sign3A_426 = arith.extui %sign3A_425 : i1 to i32
    %sign3A_427 = arith.constant 0 : i32
    %sign3A_428 = arith.cmpi slt, %add3A_405, %sign3A_427 : i32
    %sign3A_429 = arith.extui %sign3A_428 : i1 to i32
    %sign3A_430 = arith.subi %sign3A_426, %sign3A_429 : i32
    %sign3A_431 = arith.constant 0 : i32
    %sign3A_432 = arith.cmpi sgt, %jit3A_422, %sign3A_431 : i32
    %sign3A_433 = arith.extui %sign3A_432 : i1 to i32
    %sign3A_434 = arith.constant 0 : i32
    %sign3A_435 = arith.cmpi slt, %jit3A_422, %sign3A_434 : i32
    %sign3A_436 = arith.extui %sign3A_435 : i1 to i32
    %sign3A_437 = arith.subi %sign3A_433, %sign3A_436 : i32
    %ne3A_438 = arith.cmpi ne, %sign3A_430, %sign3A_437 : i32
    %rem3A_439 = arith.remsi %add3A_405, %jit3A_422 : i32
    %ne3A_440 = arith.constant 0 : i32
    %ne3A_441 = arith.cmpi ne, %rem3A_439, %ne3A_440 : i32
    %and3A_442 = arith.andi %ne3A_438, %ne3A_441 : i1
    %sub3A_443 = arith.constant 1 : i32
    %sub3A_444 = arith.subi %div3A_423, %sub3A_443 : i32
    %select_n3A_445 = arith.select %and3A_442, %sub3A_444, %div3A_423 : i32
    %mul3A_446 = arith.constant 299 : i32
    %mul3A_447 = arith.muli %mul3A_446, %select_n3A_421 : i32
    %jit3A_448 = arith.constant 31 : i32
    %div3A_449 = arith.divsi %mul3A_447, %jit3A_448 : i32
    %sign3A_450 = arith.constant 0 : i32
    %sign3A_451 = arith.cmpi sgt, %mul3A_447, %sign3A_450 : i32
    %sign3A_452 = arith.extui %sign3A_451 : i1 to i32
    %sign3A_453 = arith.constant 0 : i32
    %sign3A_454 = arith.cmpi slt, %mul3A_447, %sign3A_453 : i32
    %sign3A_455 = arith.extui %sign3A_454 : i1 to i32
    %sign3A_456 = arith.subi %sign3A_452, %sign3A_455 : i32
    %sign3A_457 = arith.constant 0 : i32
    %sign3A_458 = arith.cmpi sgt, %jit3A_448, %sign3A_457 : i32
    %sign3A_459 = arith.extui %sign3A_458 : i1 to i32
    %sign3A_460 = arith.constant 0 : i32
    %sign3A_461 = arith.cmpi slt, %jit3A_448, %sign3A_460 : i32
    %sign3A_462 = arith.extui %sign3A_461 : i1 to i32
    %sign3A_463 = arith.subi %sign3A_459, %sign3A_462 : i32
    %ne3A_464 = arith.cmpi ne, %sign3A_456, %sign3A_463 : i32
    %rem3A_465 = arith.remsi %mul3A_447, %jit3A_448 : i32
    %ne3A_466 = arith.constant 0 : i32
    %ne3A_467 = arith.cmpi ne, %rem3A_465, %ne3A_466 : i32
    %and3A_468 = arith.andi %ne3A_464, %ne3A_467 : i1
    %sub3A_469 = arith.constant 1 : i32
    %sub3A_470 = arith.subi %div3A_449, %sub3A_469 : i32
    %select_n3A_471 = arith.select %and3A_468, %sub3A_470, %div3A_449 : i32
    %dma_start3A_472 = arith.constant 1 : i32
    %dma_start3A_473 = arith.constant 0 : i32
    %dma_start3A_474 = arith.constant 0 : i32
    %dma_start3A_475 = arith.constant 0 : i32
    %dma_start3A_476 = arith.constant 0 : i32
    %dma_start3A_477 = tpu.memref_slice %arg4[%dma_start3A_472, %dma_start3A_473, %dma_start3A_474, %dma_start3A_475, %dma_start3A_476] : memref<2x1x1x224x224xf32, #tpu.memory_space<vmem>> -> memref<1x1x1x224x224xf32, #tpu.memory_space<vmem>>
    %dma_start3A_478 = tpu.memref_squeeze %dma_start3A_477 : memref<1x1x1x224x224xf32, #tpu.memory_space<vmem>> -> memref<1x1x224x224xf32, #tpu.memory_space<vmem>>
    %dma_start3A_479 = arith.constant 0 : i32
    %dma_start3A_480 = arith.constant 0 : i32
    %dma_start3A_481 = tpu.memref_slice %arg3[%select_n3A_445, %select_n3A_421, %dma_start3A_479, %dma_start3A_480] : memref<3x32x224x224xf32, #tpu.memory_space<hbm>> -> memref<1x1x224x224xf32, #tpu.memory_space<hbm>>
    %dma_start3A_482 = arith.constant 0 : i32
    %dma_start3A_483 = arith.constant 0 : i32
    %dma_start3A_484 = tpu.memref_slice %arg3[%select_n3A_445, %select_n3A_421, %dma_start3A_482, %dma_start3A_483] : memref<3x32x224x224xf32, #tpu.memory_space<hbm>> -> memref<1x1x224x224xf32, #tpu.memory_space<hbm>>
    %dma_start3A_485 = arith.constant 0 : i32
    %dma_start3A_486 = arith.constant 0 : i32
    %dma_start3A_487 = arith.constant 0 : i32
    %dma_start3A_488 = arith.constant 0 : i32
    %dma_start3A_489 = tpu.memref_slice %arg4[%dma_start3A_472, %dma_start3A_485, %dma_start3A_486, %dma_start3A_487, %dma_start3A_488] : memref<2x1x1x224x224xf32, #tpu.memory_space<vmem>> -> memref<1x1x1x224x224xf32, #tpu.memory_space<vmem>>
    %dma_start3A_490 = tpu.memref_squeeze %dma_start3A_489 : memref<1x1x1x224x224xf32, #tpu.memory_space<vmem>> -> memref<1x1x224x224xf32, #tpu.memory_space<vmem>>
    tpu.enqueue_dma source(%dma_start3A_490 : memref<1x1x224x224xf32, #tpu.memory_space<vmem>>) target(%dma_start3A_484 : memref<1x1x224x224xf32, #tpu.memory_space<hbm>>) target_semaphore(%arg6 : memref<!tpu.dma_semaphore, #tpu.memory_space<semaphore_mem>>)
    %dma_wait3A_491 = arith.constant 0 : i32
    %dma_wait3A_492 = arith.constant 0 : i32
    %dma_wait3A_493 = arith.constant 0 : i32
    %dma_wait3A_494 = arith.constant 0 : i32
    %dma_wait3A_495 = arith.constant 0 : i32
    %dma_wait3A_496 = tpu.memref_slice %arg4[%dma_wait3A_491, %dma_wait3A_492, %dma_wait3A_493, %dma_wait3A_494, %dma_wait3A_495] : memref<2x1x1x224x224xf32, #tpu.memory_space<vmem>> -> memref<1x1x1x224x224xf32, #tpu.memory_space<vmem>>
    %dma_wait3A_497 = tpu.memref_squeeze %dma_wait3A_496 : memref<1x1x1x224x224xf32, #tpu.memory_space<vmem>> -> memref<1x1x224x224xf32, #tpu.memory_space<vmem>>
    %dma_wait3A_498 = arith.constant 0 : i32
    %dma_wait3A_499 = arith.constant 0 : i32
    %dma_wait3A_500 = tpu.memref_slice %arg2[%select_n3A_337, %select_n3A_363, %dma_wait3A_498, %dma_wait3A_499] : memref<3x300x224x224xf32, #tpu.memory_space<hbm>> -> memref<1x1x224x224xf32, #tpu.memory_space<hbm>>
    %dma_wait3A_501 = arith.constant 0 : i32
    %dma_wait3A_502 = arith.constant 0 : i32
    %dma_wait3A_503 = arith.constant 0 : i32
    %dma_wait3A_504 = arith.constant 0 : i32
    %dma_wait3A_505 = tpu.memref_slice %arg4[%dma_wait3A_491, %dma_wait3A_501, %dma_wait3A_502, %dma_wait3A_503, %dma_wait3A_504] : memref<2x1x1x224x224xf32, #tpu.memory_space<vmem>> -> memref<1x1x1x224x224xf32, #tpu.memory_space<vmem>>
    %dma_wait3A_506 = tpu.memref_squeeze %dma_wait3A_505 : memref<1x1x1x224x224xf32, #tpu.memory_space<vmem>> -> memref<1x1x224x224xf32, #tpu.memory_space<vmem>>
    %dma_wait3A_507 = arith.constant 0 : i32
    %dma_wait3A_508 = arith.constant 0 : i32
    %dma_wait3A_509 = tpu.memref_slice %arg2[%select_n3A_337, %select_n3A_363, %dma_wait3A_507, %dma_wait3A_508] : memref<3x300x224x224xf32, #tpu.memory_space<hbm>> -> memref<1x1x224x224xf32, #tpu.memory_space<hbm>>
    tpu.wait_dma2 semaphore(%arg5 : memref<!tpu.dma_semaphore, #tpu.memory_space<semaphore_mem>>) src(%dma_wait3A_509 : memref<1x1x224x224xf32, #tpu.memory_space<hbm>>) dst(%dma_wait3A_506 : memref<1x1x224x224xf32, #tpu.memory_space<vmem>>)
    %mul3A_510 = arith.constant 3 : i32
    %mul3A_511 = arith.muli %add3A, %mul3A_510 : i32
    %add3A_512 = arith.constant 2 : i32
    %add3A_513 = arith.addi %mul3A_511, %add3A_512 : i32
    %jit3A_514 = arith.constant 32 : i32
    %eq3A_515 = arith.constant 0 : i32
    %eq3A_516 = arith.cmpi eq, %jit3A_514, %eq3A_515 : i32
    %jit3A_517 = arith.constant 1 : i32
    %select_n3A_518 = arith.select %eq3A_516, %jit3A_517, %jit3A_514 : i32
    %rem3A_519 = arith.remsi %add3A_513, %select_n3A_518 : i32
    %ne3A_520 = arith.constant 0 : i32
    %ne3A_521 = arith.cmpi ne, %rem3A_519, %ne3A_520 : i32
    %lt3A_522 = arith.constant 0 : i32
    %lt3A_523 = arith.cmpi slt, %rem3A_519, %lt3A_522 : i32
    %lt3A_524 = arith.constant 0 : i32
    %lt3A_525 = arith.cmpi slt, %select_n3A_518, %lt3A_524 : i32
    %ne3A_526 = arith.xori %lt3A_523, %lt3A_525 : i1
    %and3A_527 = arith.andi %ne3A_526, %ne3A_521 : i1
    %add3A_528 = arith.addi %rem3A_519, %select_n3A_518 : i32
    %select_n3A_529 = arith.select %and3A_527, %add3A_528, %rem3A_519 : i32
    %jit3A_530 = arith.constant 32 : i32
    %div3A_531 = arith.divsi %add3A_513, %jit3A_530 : i32
    %sign3A_532 = arith.constant 0 : i32
    %sign3A_533 = arith.cmpi sgt, %add3A_513, %sign3A_532 : i32
    %sign3A_534 = arith.extui %sign3A_533 : i1 to i32
    %sign3A_535 = arith.constant 0 : i32
    %sign3A_536 = arith.cmpi slt, %add3A_513, %sign3A_535 : i32
    %sign3A_537 = arith.extui %sign3A_536 : i1 to i32
    %sign3A_538 = arith.subi %sign3A_534, %sign3A_537 : i32
    %sign3A_539 = arith.constant 0 : i32
    %sign3A_540 = arith.cmpi sgt, %jit3A_530, %sign3A_539 : i32
    %sign3A_541 = arith.extui %sign3A_540 : i1 to i32
    %sign3A_542 = arith.constant 0 : i32
    %sign3A_543 = arith.cmpi slt, %jit3A_530, %sign3A_542 : i32
    %sign3A_544 = arith.extui %sign3A_543 : i1 to i32
    %sign3A_545 = arith.subi %sign3A_541, %sign3A_544 : i32
    %ne3A_546 = arith.cmpi ne, %sign3A_538, %sign3A_545 : i32
    %rem3A_547 = arith.remsi %add3A_513, %jit3A_530 : i32
    %ne3A_548 = arith.constant 0 : i32
    %ne3A_549 = arith.cmpi ne, %rem3A_547, %ne3A_548 : i32
    %and3A_550 = arith.andi %ne3A_546, %ne3A_549 : i1
    %sub3A_551 = arith.constant 1 : i32
    %sub3A_552 = arith.subi %div3A_531, %sub3A_551 : i32
    %select_n3A_553 = arith.select %and3A_550, %sub3A_552, %div3A_531 : i32
    %mul3A_554 = arith.constant 299 : i32
    %mul3A_555 = arith.muli %mul3A_554, %select_n3A_529 : i32
    %jit3A_556 = arith.constant 31 : i32
    %div3A_557 = arith.divsi %mul3A_555, %jit3A_556 : i32
    %sign3A_558 = arith.constant 0 : i32
    %sign3A_559 = arith.cmpi sgt, %mul3A_555, %sign3A_558 : i32
    %sign3A_560 = arith.extui %sign3A_559 : i1 to i32
    %sign3A_561 = arith.constant 0 : i32
    %sign3A_562 = arith.cmpi slt, %mul3A_555, %sign3A_561 : i32
    %sign3A_563 = arith.extui %sign3A_562 : i1 to i32
    %sign3A_564 = arith.subi %sign3A_560, %sign3A_563 : i32
    %sign3A_565 = arith.constant 0 : i32
    %sign3A_566 = arith.cmpi sgt, %jit3A_556, %sign3A_565 : i32
    %sign3A_567 = arith.extui %sign3A_566 : i1 to i32
    %sign3A_568 = arith.constant 0 : i32
    %sign3A_569 = arith.cmpi slt, %jit3A_556, %sign3A_568 : i32
    %sign3A_570 = arith.extui %sign3A_569 : i1 to i32
    %sign3A_571 = arith.subi %sign3A_567, %sign3A_570 : i32
    %ne3A_572 = arith.cmpi ne, %sign3A_564, %sign3A_571 : i32
    %rem3A_573 = arith.remsi %mul3A_555, %jit3A_556 : i32
    %ne3A_574 = arith.constant 0 : i32
    %ne3A_575 = arith.cmpi ne, %rem3A_573, %ne3A_574 : i32
    %and3A_576 = arith.andi %ne3A_572, %ne3A_575 : i1
    %sub3A_577 = arith.constant 1 : i32
    %sub3A_578 = arith.subi %div3A_557, %sub3A_577 : i32
    %select_n3A_579 = arith.select %and3A_576, %sub3A_578, %div3A_557 : i32
    %dma_start3A_580 = arith.constant 0 : i32
    %dma_start3A_581 = arith.constant 0 : i32
    %dma_start3A_582 = arith.constant 0 : i32
    %dma_start3A_583 = arith.constant 0 : i32
    %dma_start3A_584 = arith.constant 0 : i32
    %dma_start3A_585 = tpu.memref_slice %arg4[%dma_start3A_580, %dma_start3A_581, %dma_start3A_582, %dma_start3A_583, %dma_start3A_584] : memref<2x1x1x224x224xf32, #tpu.memory_space<vmem>> -> memref<1x1x1x224x224xf32, #tpu.memory_space<vmem>>
    %dma_start3A_586 = tpu.memref_squeeze %dma_start3A_585 : memref<1x1x1x224x224xf32, #tpu.memory_space<vmem>> -> memref<1x1x224x224xf32, #tpu.memory_space<vmem>>
    %dma_start3A_587 = arith.constant 0 : i32
    %dma_start3A_588 = arith.constant 0 : i32
    %dma_start3A_589 = tpu.memref_slice %arg3[%select_n3A_553, %select_n3A_529, %dma_start3A_587, %dma_start3A_588] : memref<3x32x224x224xf32, #tpu.memory_space<hbm>> -> memref<1x1x224x224xf32, #tpu.memory_space<hbm>>
    %dma_start3A_590 = arith.constant 0 : i32
    %dma_start3A_591 = arith.constant 0 : i32
    %dma_start3A_592 = tpu.memref_slice %arg3[%select_n3A_553, %select_n3A_529, %dma_start3A_590, %dma_start3A_591] : memref<3x32x224x224xf32, #tpu.memory_space<hbm>> -> memref<1x1x224x224xf32, #tpu.memory_space<hbm>>
    %dma_start3A_593 = arith.constant 0 : i32
    %dma_start3A_594 = arith.constant 0 : i32
    %dma_start3A_595 = arith.constant 0 : i32
    %dma_start3A_596 = arith.constant 0 : i32
    %dma_start3A_597 = tpu.memref_slice %arg4[%dma_start3A_580, %dma_start3A_593, %dma_start3A_594, %dma_start3A_595, %dma_start3A_596] : memref<2x1x1x224x224xf32, #tpu.memory_space<vmem>> -> memref<1x1x1x224x224xf32, #tpu.memory_space<vmem>>
    %dma_start3A_598 = tpu.memref_squeeze %dma_start3A_597 : memref<1x1x1x224x224xf32, #tpu.memory_space<vmem>> -> memref<1x1x224x224xf32, #tpu.memory_space<vmem>>
    tpu.enqueue_dma source(%dma_start3A_598 : memref<1x1x224x224xf32, #tpu.memory_space<vmem>>) target(%dma_start3A_592 : memref<1x1x224x224xf32, #tpu.memory_space<hbm>>) target_semaphore(%arg6 : memref<!tpu.dma_semaphore, #tpu.memory_space<semaphore_mem>>)
    %dma_wait3A_599 = arith.constant 1 : i32
    %dma_wait3A_600 = arith.constant 0 : i32
    %dma_wait3A_601 = arith.constant 0 : i32
    %dma_wait3A_602 = arith.constant 0 : i32
    %dma_wait3A_603 = arith.constant 0 : i32
    %dma_wait3A_604 = tpu.memref_slice %arg4[%dma_wait3A_599, %dma_wait3A_600, %dma_wait3A_601, %dma_wait3A_602, %dma_wait3A_603] : memref<2x1x1x224x224xf32, #tpu.memory_space<vmem>> -> memref<1x1x1x224x224xf32, #tpu.memory_space<vmem>>
    %dma_wait3A_605 = tpu.memref_squeeze %dma_wait3A_604 : memref<1x1x1x224x224xf32, #tpu.memory_space<vmem>> -> memref<1x1x224x224xf32, #tpu.memory_space<vmem>>
    %dma_wait3A_606 = arith.constant 0 : i32
    %dma_wait3A_607 = arith.constant 0 : i32
    %dma_wait3A_608 = tpu.memref_slice %arg3[%select_n3A_445, %select_n3A_421, %dma_wait3A_606, %dma_wait3A_607] : memref<3x32x224x224xf32, #tpu.memory_space<hbm>> -> memref<1x1x224x224xf32, #tpu.memory_space<hbm>>
    %dma_wait3A_609 = arith.constant 0 : i32
    %dma_wait3A_610 = arith.constant 0 : i32
    %dma_wait3A_611 = tpu.memref_slice %arg3[%select_n3A_445, %select_n3A_421, %dma_wait3A_609, %dma_wait3A_610] : memref<3x32x224x224xf32, #tpu.memory_space<hbm>> -> memref<1x1x224x224xf32, #tpu.memory_space<hbm>>
    %dma_wait3A_612 = arith.constant 0 : i32
    %dma_wait3A_613 = arith.constant 0 : i32
    %dma_wait3A_614 = arith.constant 0 : i32
    %dma_wait3A_615 = arith.constant 0 : i32
    %dma_wait3A_616 = tpu.memref_slice %arg4[%dma_wait3A_599, %dma_wait3A_612, %dma_wait3A_613, %dma_wait3A_614, %dma_wait3A_615] : memref<2x1x1x224x224xf32, #tpu.memory_space<vmem>> -> memref<1x1x1x224x224xf32, #tpu.memory_space<vmem>>
    %dma_wait3A_617 = tpu.memref_squeeze %dma_wait3A_616 : memref<1x1x1x224x224xf32, #tpu.memory_space<vmem>> -> memref<1x1x224x224xf32, #tpu.memory_space<vmem>>
    tpu.wait_dma2 semaphore(%arg6 : memref<!tpu.dma_semaphore, #tpu.memory_space<semaphore_mem>>) src(%dma_wait3A_617 : memref<1x1x224x224xf32, #tpu.memory_space<vmem>>) dst(%dma_wait3A_611 : memref<1x1x224x224xf32, #tpu.memory_space<hbm>>)
    %dma_wait3A_618 = arith.constant 0 : i32
    %dma_wait3A_619 = arith.constant 0 : i32
    %dma_wait3A_620 = arith.constant 0 : i32
    %dma_wait3A_621 = arith.constant 0 : i32
    %dma_wait3A_622 = arith.constant 0 : i32
    %dma_wait3A_623 = tpu.memref_slice %arg4[%dma_wait3A_618, %dma_wait3A_619, %dma_wait3A_620, %dma_wait3A_621, %dma_wait3A_622] : memref<2x1x1x224x224xf32, #tpu.memory_space<vmem>> -> memref<1x1x1x224x224xf32, #tpu.memory_space<vmem>>
    %dma_wait3A_624 = tpu.memref_squeeze %dma_wait3A_623 : memref<1x1x1x224x224xf32, #tpu.memory_space<vmem>> -> memref<1x1x224x224xf32, #tpu.memory_space<vmem>>
    %dma_wait3A_625 = arith.constant 0 : i32
    %dma_wait3A_626 = arith.constant 0 : i32
    %dma_wait3A_627 = tpu.memref_slice %arg3[%select_n3A_553, %select_n3A_529, %dma_wait3A_625, %dma_wait3A_626] : memref<3x32x224x224xf32, #tpu.memory_space<hbm>> -> memref<1x1x224x224xf32, #tpu.memory_space<hbm>>
    %dma_wait3A_628 = arith.constant 0 : i32
    %dma_wait3A_629 = arith.constant 0 : i32
    %dma_wait3A_630 = tpu.memref_slice %arg3[%select_n3A_553, %select_n3A_529, %dma_wait3A_628, %dma_wait3A_629] : memref<3x32x224x224xf32, #tpu.memory_space<hbm>> -> memref<1x1x224x224xf32, #tpu.memory_space<hbm>>
    %dma_wait3A_631 = arith.constant 0 : i32
    %dma_wait3A_632 = arith.constant 0 : i32
    %dma_wait3A_633 = arith.constant 0 : i32
    %dma_wait3A_634 = arith.constant 0 : i32
    %dma_wait3A_635 = tpu.memref_slice %arg4[%dma_wait3A_618, %dma_wait3A_631, %dma_wait3A_632, %dma_wait3A_633, %dma_wait3A_634] : memref<2x1x1x224x224xf32, #tpu.memory_space<vmem>> -> memref<1x1x1x224x224xf32, #tpu.memory_space<vmem>>
    %dma_wait3A_636 = tpu.memref_squeeze %dma_wait3A_635 : memref<1x1x1x224x224xf32, #tpu.memory_space<vmem>> -> memref<1x1x224x224xf32, #tpu.memory_space<vmem>>
    tpu.wait_dma2 semaphore(%arg6 : memref<!tpu.dma_semaphore, #tpu.memory_space<semaphore_mem>>) src(%dma_wait3A_636 : memref<1x1x224x224xf32, #tpu.memory_space<vmem>>) dst(%dma_wait3A_630 : memref<1x1x224x224xf32, #tpu.memory_space<hbm>>)
    return
  }
}

</mosaic_0001>

<sc_bundles>
// kernel: kernel.3.cloned.1.call-start
scs
__scs_entry_jumppad:
0x0: {  	(pc) =	sbr.rel $0x88, $3  }
0x1: {  	(tag) =	ssettag $0x0;
	lr =	simm.s32 $0x1  }
0x2: {  	[smem:$0x3FA0] =	sst lr;
	_ =	strace $0xD0000000  }
0x3: {  	_ = 	snop  }
0x4: {  	_ = 	snop  }
0x5: {  	_ = 	snop  }
0x6: {  	_ = 	snop  }
0x7: {  	_ = 	snop  }
__scs_overlays_trampoline_lowered:
0x8: {  	[smem:$0x3FAF] =	sst s0  }
0x9: {  	[smem:$0x3FB0] =	sst s1  }
0xa: {  	[smem:$0x3FB1] =	sst s2  }
0xb: {  	[smem:$0x3FB2] =	sst s3  }
0xc: {  	[smem:$0x3FB3] =	sst s4  }
0xd: {  	[smem:$0x3FB4] =	sst s5  }
0xe: {  	[smem:$0x3FB5] =	sst s6  }
0xf: {  	[smem:$0x3FB6] =	sst s7  }
0x10: {  	[smem:$0x3FB7] =	sst s8  }
0x11: {  	[smem:$0x3FB8] =	sst s9;
	s0 =	simm.s32 @!p0 $0x0  }
0x12: {  	s1 =	sld [smem:$0x3F9E];
	s0 =	simm.s32 @p0 $0x1  }
0x13: {  	[smem:$0x3FB9] =	sst s0;
	s0 =	simm.s32 @!p1 $0x0  }
0x14: {  	s2 =	sld [smem:$0x3F9D];
	s0 =	simm.s32 @p1 $0x1  }
0x15: {  	[smem:$0x3FBA] =	sst s0;
	s0 =	simm.s32 @!p2 $0x0  }
0x16: {  	s3 =	sld [smem:$0x3FDB];
	s0 =	simm.s32 @p2 $0x1  }
0x17: {  	s4 =	simm.s32 $0x1BF5;
	[smem:$0x3FBC] =	sst s0  }
0x18: {  	s0 =	sld [smem:$0x3F9F];
	_ =	swait.ge [sflag:s4], $0x0  }
0x19: {  	s7 =	sld [smem:$0x3FA0]  }
0x1a: {  	s8 =	sadd.s32 $0xFFFFE003, lr  }
0x1b: {  	s9 =	sadd.s32 $0xFFFFFEF7, lr;
	s5 =	simm.s32 $0xFFFFFFFF;
	p2 =	slt.u32 s8, $0xFFFFF086  }
0x1c: {  	p1 =	slt.u32 s9, $0xF7A;
	s5 =	simm.s32 @!p2 $0x0  }
0x1d: {  	s5 =	simm.s32 @p1 $0x1;
	p0 =	seq.s32 s7, s2  }
0x1e: {  	s7 =	smul.u32 @!p0 $0xF7A, s2;
	p2 =	seq.s32 @!p0 s5, $0x0  }
0x1f: {  	s9 =	smul.u32 $0xF7A, s1;
	s8 =	simm.s32 @!p0 $0x1BF5;
	p2 =	por !p2, p0  }
0x20: {  	[sflag:s8] =	ssyncset.s32 @!p0 $0xFFFFF086;
	s6 =	sadd.s32 @!p0 s3, s7;
	s7 =	simm.s32 @!p0 $0x108  }
0x21: {  	s3 =	sadd.s32 s3, s9;
	s6 =	sadd.s32 @!p0 $0x88, s6;
	s7 =	simm.s32 @p2 $0x1082  }
0x22: {  	[simem:s7], [sflag:s8] =	dma.local @!p0 [hbm:s6], $0xF7A  }
0x23: {  	s9 =	sor.u32 $0xD0000000, s2;
	s6 =	simm.s32 $0x108;
	_ =	swait.ge @!p0 [sflag:s8], $0x0  }
0x24: {  	s3 =	sadd.s32 $0x88, s3;
	s6 =	simm.s32 @!p1 $0x1082;
	[sflag:s4] =	ssyncset.s32 $0xFFFFF086  }
0x25: {  	[simem:s6], [sflag:s4] =	dma.local [hbm:s3], $0xF7A  }
0x26: {  	[smem:$0x3FA0] =	sst s1;
	(tag) =	ssettag s2;
	_ =	strace s9  }
0x27: {  	s1 =	sld [smem:$0x3FB0]  }
0x28: {  	s2 =	sld [smem:$0x3FB1]  }
0x29: {  	s4 =	sld [smem:$0x3FB3]  }
0x2a: {  	p0 =	seq.s32 s5, $0x0;
	s5 =	sld [smem:$0x3FB4]  }
0x2b: {  	s6 =	sld [smem:$0x3FB5]  }
0x2c: {  	s7 =	sld [smem:$0x3FB6]  }
0x2d: {  	s3 =	simm.s32 $0x108;
	s8 =	sld [smem:$0x3FB7]  }
0x2e: {  	s3 =	simm.s32 @!p0 $0x1082;
	s9 =	sld [smem:$0x3FB8]  }
0x2f: {  	lr =	sadd.s32 s0, s3;
	s0 =	sld [smem:$0x3FAF]  }
0x30: {  	s3 =	sld [smem:$0x3FB2]  }
0x31: {  	[smem:$0x3FBB] =	sst s10  }
0x32: {  	s10 =	sld [smem:$0x3FB9];
	_ =	sdelay $0x3  }
0x33: {  	p0 =	seq.s32 s10, $0x1;
	s10 =	sld [smem:$0x3FBB];
	_ =	sdelay $0x3  }
0x34: {  	[smem:$0x3FBB] =	sst s10  }
0x35: {  	s10 =	sld [smem:$0x3FBA];
	_ =	sdelay $0x3  }
0x36: {  	p1 =	seq.s32 s10, $0x1;
	s10 =	sld [smem:$0x3FBB];
	_ =	sdelay $0x3  }
0x37: {  	[smem:$0x3FBB] =	sst s10  }
0x38: {  	s10 =	sld [smem:$0x3FBC]  }
0x39: {  	_ = 	snop;
	(pc) =	sbr.ind lr, $3  }
0x3a: {  	_ = 	snop  }
0x3b: {  	_ = 	snop  }
0x3c: {  	p2 =	seq.s32 s10, $0x1;
	s10 =	sld [smem:$0x3FBB]  }
0x3d: {  	_ =	shalt  }
0x3e: {  	_ =	shalt  }
0x3f: {  	_ =	shalt  }
0x40: {  	_ =	shalt  }
0x41: {  	_ =	shalt  }
0x42: {  	_ =	shalt  }
0x43: {  	_ =	shalt  }
0x44: {  	_ =	shalt  }
0x45: {  	_ =	shalt  }
0x46: {  	_ =	shalt  }
0x47: {  	_ =	shalt  }
0x48: {  	_ =	shalt  }
0x49: {  	_ =	shalt  }
0x4a: {  	_ =	shalt  }
0x4b: {  	_ =	shalt  }
0x4c: {  	_ =	shalt  }
0x4d: {  	_ =	shalt  }
0x4e: {  	_ =	shalt  }
0x4f: {  	_ =	shalt  }
0x50: {  	_ =	shalt  }
0x51: {  	_ =	shalt  }
0x52: {  	_ =	shalt  }
0x53: {  	_ =	shalt  }
0x54: {  	_ =	shalt  }
0x55: {  	_ =	shalt  }
0x56: {  	_ =	shalt  }
0x57: {  	_ =	shalt  }
0x58: {  	_ =	shalt  }
0x59: {  	_ =	shalt  }
0x5a: {  	_ =	shalt  }
0x5b: {  	_ =	shalt  }
0x5c: {  	_ =	shalt  }
0x5d: {  	_ =	shalt  }
0x5e: {  	_ =	shalt  }
0x5f: {  	_ =	shalt  }
0x60: {  	_ =	shalt  }
0x61: {  	_ =	shalt  }
0x62: {  	_ =	shalt  }
0x63: {  	_ =	shalt  }
0x64: {  	_ =	shalt  }
0x65: {  	_ =	shalt  }
0x66: {  	_ =	shalt  }
0x67: {  	_ =	shalt  }
0x68: {  	_ =	shalt  }
0x69: {  	_ =	shalt  }
0x6a: {  	_ =	shalt  }
0x6b: {  	_ =	shalt  }
0x6c: {  	_ =	shalt  }
0x6d: {  	_ =	shalt  }
0x6e: {  	_ =	shalt  }
0x6f: {  	_ =	shalt  }
0x70: {  	_ =	shalt  }
0x71: {  	_ =	shalt  }
0x72: {  	_ =	shalt  }
0x73: {  	_ =	shalt  }
0x74: {  	_ =	shalt  }
0x75: {  	_ =	shalt  }
0x76: {  	_ =	shalt  }
0x77: {  	_ =	shalt  }
0x78: {  	_ =	shalt  }
0x79: {  	_ =	shalt  }
0x7a: {  	_ =	shalt  }
0x7b: {  	_ =	shalt  }
0x7c: {  	_ =	shalt  }
0x7d: {  	_ =	shalt  }
0x7e: {  	_ =	shalt  }
0x7f: {  	_ =	shalt  }
0x80: {  	_ =	shalt  }
0x81: {  	_ =	shalt  }
0x82: {  	_ =	shalt  }
0x83: {  	_ =	shalt  }
0x84: {  	_ =	shalt  }
0x85: {  	_ =	shalt  }
0x86: {  	_ =	shalt  }
0x87: {  	_ =	shalt  }
.Lfunc_end0:
.L_simem_size_0:
called_computation_lowered:
.L_overlay_start_0:
0x88: {  	s2 =	sld [smem:$0x3FD9]  }
0x89: {  	s3 =	sld [smem:$0x3FFE];
	_ =	sdelay $0x1  }
0x8a: {  	s1 =	srdreg.scid  }
0x8b: {  	s0 =	sand.u32 $0x1, s1  }
0x8c: {  	s18 =	sshll.u32 s0, $0xA;
	s2 =	sadd.s32 s3, s2  }
0x8d: {  	s2 =	sadd.s32 s2, s18  }
0x8e: {  	[smem:$0x3FC7] =	sst s2  }
0x8f: {  	_ = 	snop  }
0x90: {  	s2 =	sld [smem:$0x3FC9]  }
0x91: {  	s19 =	sld [smem:$0x3FD0];
	(tm) =	ssettm $0x1  }
0x92: {  	s4 =	sld [smem:$0x3FFB];
	_ =	sdelay $0x3  }
0x93: {  	_ =	strace s4  }
0x94: {  	s4 =	sld [smem:$0x3FFC];
	_ =	sdelay $0x3  }
0x95: {  	_ =	strace s4  }
0x96: {  	s4 =	sld [smem:$0x3FFD];
	_ =	sdelay $0x3  }
0x97: {  	_ =	strace s4  }
0x98: {  	_ =	strace $0x8FFFFFFF  }
0x99: {  	s20 =	sld [smem:$0x3FDB];
	_ =	sdelay $0x1  }
0x9a: {  	s5 =	simm.s32 $_scs_section_size  }
0x9b: {  	s6 =	simm.s32 $_size__tile_overlayer_lowered;
	s7 =	simm.s32 $_tile_overlayer_lowered  }
0x9c: {  	s23 =	simm.s32 $0x1BFF;
	s22 =	sshll.u32 s7, $0x1;
	s4 =	sadd.s32 s5, s20  }
0x9d: {  	s8 =	simm.s32 $0x0;
	s21 =	sshll.u32 s6, $0x1;
	s6 =	sadd.s32 s22, s4  }
0x9e: {  	[timem:s8], [sflag:s23] =	dma.local [hbm:s6], s21  }
0x9f: {  	_ =	swait.ge [sflag:s23], s21  }
0xa0: {  	s5 =	ssub.s32 $0x0, s21;
	[sflag:s23] =	ssyncset.done $0x0  }
0xa1: {  	[sflag:s23] =	ssyncadd.s32 s5;
	_ =	sdelay $0x1  }
0xa2: {  	s24 =	simm.s32 $0x1B8B  }
0xa3: {  	_ =	swait.ge [sflag:s24], $0x1  }
0xa4: {  	[sflag:s24] =	ssyncset.done $0x0  }
0xa5: {  	s25 =	simm.s32 $0x1B8E;
	[sflag:s24] =	ssyncadd.s32 $0xFFFFFFFF  }
0xa6: {  	s26 =	simm.s32 $execute0_lowered;
	[smem:$0x3FD2] =	sst s25  }
0xa7: {  	s5 =	sshll.u32 s26, $0x1;
	_ =	strace $0x80000046;
	[dreg:$0x1] =	wrdreg $0xFFFFFFFF  }
0xa8: {  	s28 =	simm.s32 $_size_execute0_lowered;
	s4 =	sadd.s32 s4, s5;
	[dreg:$0x0] =	wrdreg $0x0  }
0xa9: {  	s5 =	sshll.u32 s28, $0x1;
	[dreg:$0x2] =	wrdreg s4  }
0xaa: {  	[dreg:$0x3] =	wrdreg s5  }
0xab: {  	[dreg:$0x4] =	wrdreg $0xC0  }
0xac: {  	_ =	task [dreg:s8], $0x5FFFF  }
0xad: {  	[dreg:$0x1] =	wrdreg $0xFFFFFFFF  }
0xae: {  	[dreg:$0x0] =	wrdreg $0x60  }
0xaf: {  	[dreg:$0x2] =	wrdreg s2  }
0xb0: {  	[dreg:$0x3] =	wrdreg s19  }
0xb1: {  	[dreg:$0x4] =	wrdreg $0x9  }
0xb2: {  	_ =	task.clear_ibuf [dreg:s8], $0x5FFFF;
	_ =	strace $0x90000046  }
0xb3: {  	s29 =	simm.s32 $0x9;
	_ =	strace $0x80000048  }
0xb4: {  	_ =	swait.ge [sflag:s29], $0x1  }
0xb5: {  	[sflag:s29] =	ssyncadd.s32 $0xFFFFFFFF  }
0xb6: {  	_ =	strace $0x90000048  }
0xb7: {  	_ =	sfence  }
0xb8: {  	s30 =	sld [smem:$0x0];
	_ =	sdelay $0x2  }
0xb9: {  	s31 =	sshll.u32 s1, $0xD;
	s1 =	sshrl.u32 s1, $0x2  }
0xba: {  	s3 =	sand.u32 $0x4000, s31;
	s1 =	sadd.s32 s1, s30  }
0xbb: {  	s0 =	sor.u32 s3, s0;
	s1 =	sshll.u32 s1, $0x11  }
0xbc: {  	s0 =	sor.u32 s1, s0  }
0xbd: {  	s0 =	sadd.s32 $0x8F2B, s0  }
0xbe: {  	[sflag:s0] =	ssyncadd.remote.s32 $0x1  }
0xbf: {  	_ =	sfence.sel $0xFFFF  }
0xc0: {  	[dreg:$0x0] =	wrdreg $0xFFFFFFFF;
	(pc) =	sbr.abs _section_cstart, $3  }
0xc1: {  	[dreg:$0x1] =	wrdreg $0xFFFFFFFF  }
0xc2: {  	_ =	task.clear_ibuf [dreg:s8], $0x2FFFF;
	_ =	strace $0x9FFFFFFF  }
0xc3: {  	(tm) =	ssettm $0x7FFFFFFF  }
tec
execute0_lowered:
.L_overlay_start_1:
0x0: {  	(tag) =	ssettag $0x1  }
0x1: {  	s1 =	srdreg.scid;
	s0 =	stileid.u32  }
0x2: {  	s11 =	sand.u32 $0x1, s1;
	s19 =	sshll.u32 s0, $0x1  }
0x3: {  	s1 =	sor.u32 s11, s19  }
0x4: {  	s4 =	smul.u32 $0x3, s1;
	_ =	sdelay $0x1  }
0x5: {  	s3 =	sand.u32 $0x1F, s4  }
0x6: {  	s5 =	sshrl.u32 s4, $0x5;
	s20 =	smul.u32 $0x4D29DB, s3  }
0x7: {  	s6 =	smul.u32 $0x1068000, s5  }
0x8: {  	s2 =	sadd.s32 $0x1, s4;
	s5 =	smul.u32 $0x1C0000, s5  }
0x9: {  	s10 =	sand.u32 $0x1F, s2;
	s22 =	smul.u32 $0xE000, s3  }
0xa: {  	s24 =	sadd.s32 $0x2, s4;
	s12 =	sshrl.u32 s2, $0x5;
	s7 =	smul.u32 $0x4D29DB, s10  }
0xb: {  	s26 =	sand.u32 $0x1F, s24;
	s14 =	smul.u32 $0x1068000, s12  }
0xc: {  	s9 =	rddreg [dreg:$0x0];
	s16 =	sshrl.u32 s24, $0x5;
	s15 =	smul.u32 $0x4D29DB, s26  }
0xd: {  	s13 =	rddreg [dreg:$0x1];
	s17 =	smul.u32 $0x1068000, s16;
	s1 =	sshrl.u32 s20, $0x13  }
0xe: {  	s2 =	simm.s32 $0x0;
	s8 =	smul.u32 $0xE000, s1;
	s21 =	sshrl.u32 s7, $0x13  }
0xf: {  	[smem:$0x7FF] =	sst s2;
	s7 =	smul.u32 $0xE000, s21  }
0x10: {  	s5 =	sadd.s32 s22, s5;
	s1 =	rddreg [dreg:$0x2];
	s6 =	sadd.s32 s6, s8  }
0x11: {  	_ =	strace $0x80000047;
	s6 =	sshrl.u32 s6, $0x3;
	s23 =	sadd.s32 s14, s7  }
0x12: {  	s25 =	sshrl.u32 s5, $0x3;
	s3 =	sadd.s32 s9, s6;
	s6 =	sshrl.u32 s23, $0x3  }
0x13: {  	[tilespmem:s2], [sflag:$0x1] =	stream.linear.gather [hbm4b:s3+s2], $0xE000, $0x38;
	[tilespmem:$0x1C000] =	vst v63  }
0x14: {  	s5 =	simm.s32 $0xE000;
	s4 =	sadd.s32 s9, s6;
	s6 =	simm.s32 $0x1  }
0x15: {  	[tilespmem:s5], [sflag:$0x1] =	stream.linear.gather [hbm4b:s4+s2], $0xE000, $0x38;
	[tilespmem:$0x1C000] =	vst v63  }
0x16: {  	s12 =	smul.u32 $0x1C0000, s12;
	s28 =	sshrl.u32 s15, $0x13;
	_ =	swait.ge [sflag:s6], $0xE000  }
0x17: {  	s30 =	ssub.s32 $0x2, s11;
	s15 =	smul.u32 $0xE000, s28;
	[sflag:s6] =	ssyncset.done $0x0  }
0x18: {  	s8 =	simm.s32 $0x2;
	s7 =	sadd.s32 s13, s25;
	[sflag:s6] =	ssyncadd.s32 $0xFFFF2000  }
0x19: {  	[hbm4b:s7+s2] =	stream.linear.scatter [tilespmem:s2], [sflag:$0x2], $0xE000, $0x38;
	[tilespmem:$0x1C000] =	vst v63  }
0x1a: {  	s10 =	smul.u32 $0xE000, s10;
	s15 =	sadd.s32 s17, s15;
	_ =	swait.ge [sflag:s8], $0xE000  }
0x1b: {  	s29 =	smul.u32 $0x1C0000, s16;
	s15 =	sshrl.u32 s15, $0x3;
	[sflag:s8] =	ssyncset.done $0x0  }
0x1c: {  	s14 =	smul.u32 $0xE000, s26;
	s9 =	sadd.s32 s9, s15;
	[sflag:s8] =	ssyncadd.s32 $0xFFFF2000  }
0x1d: {  	[tilespmem:s2], [sflag:$0x1] =	stream.linear.gather [hbm4b:s9+s2], $0xE000, $0x38;
	[tilespmem:$0x1C000] =	vst v63  }
0x1e: {  	s31 =	sshrl.u32 s30, $0x1;
	s10 =	sadd.s32 s10, s12;
	_ =	swait.ge [sflag:s6], $0xE000  }
0x1f: {  	s10 =	sshrl.u32 s10, $0x3;
	s12 =	sadd.s32 s14, s29;
	[sflag:s6] =	ssyncset.done $0x0  }
0x20: {  	s10 =	sadd.s32 s13, s10;
	s12 =	sshrl.u32 s12, $0x3;
	[sflag:s6] =	ssyncadd.s32 $0xFFFF2000  }
0x21: {  	[hbm4b:s10+s2] =	stream.linear.scatter [tilespmem:s5], [sflag:$0x2], $0xE000, $0x38;
	[tilespmem:$0x1C000] =	vst v63  }
0x22: {  	s11 =	sadd.s32 s13, s12;
	s12 =	ssub.s32 s30, s31;
	_ =	swait.ge [sflag:s6], $0xE000  }
0x23: {  	s12 =	smax.u32 s12, $0x1;
	[sflag:s6] =	ssyncset.done $0x0  }
0x24: {  	p0 =	sne.s32 s12, $0x1;
	[sflag:s6] =	ssyncadd.s32 $0xFFFF2000  }
0x25: {  	[hbm4b:s11+s2] =	stream.linear.scatter [tilespmem:s2], [sflag:$0x2], $0xE000, $0x38;
	[tilespmem:$0x1C000] =	vst v63  }
.Ltmp0:
0x26: {  	_ =	swait.ge [sflag:s8], $0xE000;
	(pc) =	sbr.rel @!p0 .LBB2_2-.Ltmp0, $4  }
0x27: {  	[sflag:s8] =	ssyncset.done $0x0  }
0x28: {  	[sflag:s8] =	ssyncadd.s32 $0xFFFF2000  }
0x29: {  	_ =	swait.ge [sflag:s8], $0xE000  }
0x2a: {  	s12 =	sadd.s32 $0xFFFFFFFF, s12;
	[sflag:s8] =	ssyncset.done $0x0  }
.LBB2_1:
0x2b: {  	p0 =	sne.s32 s12, $0x1;
	s12 =	sadd.s32 $0xFFFFFFFF, s12;
	[sflag:s8] =	ssyncadd.s32 $0xFFFF2000  }
0x2c: {  	[tilespmem:s2], [sflag:$0x1] =	stream.linear.gather [hbm4b:s3+s2], $0xE000, $0x38;
	[tilespmem:$0x1C000] =	vst v63  }
0x2d: {  	_ = 	snop  }
0x2e: {  	[tilespmem:s5], [sflag:$0x1] =	stream.linear.gather [hbm4b:s4+s2], $0xE000, $0x38;
	[tilespmem:$0x1C000] =	vst v63  }
0x2f: {  	_ =	swait.ge [sflag:s6], $0xE000  }
0x30: {  	[sflag:s6] =	ssyncset.done $0x0  }
0x31: {  	[sflag:s6] =	ssyncadd.s32 $0xFFFF2000  }
0x32: {  	[hbm4b:s7+s2] =	stream.linear.scatter [tilespmem:s2], [sflag:$0x2], $0xE000, $0x38;
	[tilespmem:$0x1C000] =	vst v63  }
0x33: {  	_ =	swait.ge [sflag:s8], $0xE000  }
0x34: {  	[sflag:s8] =	ssyncset.done $0x0  }
0x35: {  	[sflag:s8] =	ssyncadd.s32 $0xFFFF2000  }
0x36: {  	[tilespmem:s2], [sflag:$0x1] =	stream.linear.gather [hbm4b:s9+s2], $0xE000, $0x38;
	[tilespmem:$0x1C000] =	vst v63  }
0x37: {  	_ =	swait.ge [sflag:s6], $0xE000  }
0x38: {  	[sflag:s6] =	ssyncset.done $0x0  }
0x39: {  	[sflag:s6] =	ssyncadd.s32 $0xFFFF2000  }
0x3a: {  	[hbm4b:s10+s2] =	stream.linear.scatter [tilespmem:s5], [sflag:$0x2], $0xE000, $0x38;
	[tilespmem:$0x1C000] =	vst v63  }
0x3b: {  	_ =	swait.ge [sflag:s6], $0xE000  }
0x3c: {  	[sflag:s6] =	ssyncset.done $0x0  }
0x3d: {  	[sflag:s6] =	ssyncadd.s32 $0xFFFF2000  }
0x3e: {  	[hbm4b:s11+s2] =	stream.linear.scatter [tilespmem:s2], [sflag:$0x2], $0xE000, $0x38;
	[tilespmem:$0x1C000] =	vst v63  }
.Ltmp1:
0x3f: {  	_ =	swait.ge [sflag:s8], $0xE000;
	(pc) =	sbr.rel @p0 .LBB2_1-.Ltmp1, $4  }
0x40: {  	[sflag:s8] =	ssyncset.done $0x0  }
0x41: {  	[sflag:s8] =	ssyncadd.s32 $0xFFFF2000  }
0x42: {  	_ =	swait.ge [sflag:s8], $0xE000  }
0x43: {  	[sflag:s8] =	ssyncset.done $0x0  }
.LBB2_2:
0x44: {  	[sflag:s8] =	ssyncadd.s32 $0xFFFF2000  }
0x45: {  	_ =	sfence.sel $0x180000  }
0x46: {  	[bflag:$0x0] =	sbarrier.arrive $0xFFFF  }
0x47: {  	p0 =	sne.s32 s0, $0x0;
	_ =	strace $0x90000047  }
0x48: {  	s0 =	sadd.s32 @!p0 $0x100000, s1;
	[bflag:$0x2] =	sbarrier.arrive $0xFFFF  }
0x49: {  	[sflag:s0] =	ssyncadd.tile.s32 @!p0 $0x1;
	_ =	shalt  }
.Lfunc_end2:
_tile_overlayer_lowered:
.L_overlay_start_2:
0x4a: {  	(tag) =	ssettag $0x2  }
0x4b: {  	s0 =	rddreg [dreg:$0x0];
	s2 =	stileid.u32  }
0x4c: {  	s1 =	rddreg [dreg:$0x1];
	p0 =	sne.s32 s2, $0x0  }
0x4d: {  	s3 =	rddreg [dreg:$0x2];
	[bflag:$0x3] =	sbarrier.arrive $0xFFFF;
	s2 =	simm.s32 @!p0 $0x1C03  }
0x4e: {  	[timem:s3], [sflag:s2] =	dma.local @!p0 [hbm:s0], s1  }
0x4f: {  	s0 =	simm.s32 @!p0 $0x3  }
0x50: {  	_ =	swait.ge @!p0 [sflag:s0], s1  }
0x51: {  	s1 =	ssub.s32 @!p0 $0x0, s1;
	[sflag:s0] =	ssyncset.done @!p0 $0x0  }
0x52: {  	[sflag:s0] =	ssyncadd.s32 @!p0 s1  }
0x53: {  	[bflag:$0x3] =	sbarrier.arrive $0xFFFF  }
0x54: {  	_ =	shalt  }

</sc_bundles>
